<compile_context>
chip_gen: v7x
topology: tpu7x:2x2x1
jax: 0.10.2.dev20260603
libtpu: 0.0.44.dev20260713+nightly
codegen_flags: <defaults>
</compile_context>

<pallas_src>
import functools

import jax
import jax.numpy as jnp
from jax import lax
from jax.experimental import pallas as pl
from jax.experimental.pallas import tpu as pltpu
from jax.experimental.pallas import tpu_sc as plsc

N_NODES = 10000
D_FEAT = 128
OUT_ROWS = 10112
NC = 2
NS = 16
NW = NC * NS
CHUNK = 128
PAD_ROW = N_NODES
ROWS_PER_TILE = OUT_ROWS // NS
ZCOPIES = ROWS_PER_TILE // CHUNK
ZREM = ROWS_PER_TILE - ZCOPIES * CHUNK

_mesh = plsc.VectorSubcoreMesh(core_axis_name="c", subcore_axis_name="s")


def _nchunks(n_edges, workers):
    per_w = -(-n_edges // (workers * CHUNK))
    return per_w + (per_w % 2)


@functools.partial(jax.jit, static_argnames=("nch",))
def _sc_segsum_call(gpad, idxw, z, nch):

    @functools.partial(
        pl.kernel,
        mesh=_mesh,
        out_type=jax.ShapeDtypeStruct((NC, OUT_ROWS, D_FEAT), jnp.float32),
        scratch_types=[
            pltpu.VMEM((4, CHUNK), jnp.int32),
            pltpu.VMEM((CHUNK, D_FEAT), jnp.float32),
            pltpu.VMEM((CHUNK, D_FEAT), jnp.float32),
            pltpu.VMEM_SHARED((OUT_ROWS, D_FEAT), jnp.float32),
            pltpu.SemaphoreType.DMA,
            pltpu.SemaphoreType.DMA,
            pltpu.SemaphoreType.DMA,
            pltpu.SemaphoreType.DMA,
        ],
    )
    def kern(gh_hbm, idx_hbm, z_hbm, out_hbm,
             ring, buf0, buf1, acc, semg0, semg1, semi0, semi1):
        cid = lax.axis_index("c")
        sid = lax.axis_index("s")
        wid = cid * NS + sid
        r0 = sid * ROWS_PER_TILE

        pltpu.sync_copy(z_hbm, buf0)
        for k in range(ZCOPIES):
            pltpu.sync_copy(buf0, acc.at[pl.ds(r0 + k * CHUNK, CHUNK)])
        pltpu.sync_copy(
            buf0.at[pl.ds(0, ZREM)],
            acc.at[pl.ds(r0 + ZCOPIES * CHUNK, ZREM)])
        plsc.subcore_barrier()

        bufs = (buf0, buf1)
        semg = (semg0, semg1)
        semi = (semi0, semi1)

        pltpu.async_copy(idx_hbm.at[wid, 0], ring.at[pl.ds(0, 2)], semi0)
        pltpu.async_copy(idx_hbm.at[wid, 1], ring.at[pl.ds(2, 2)], semi1)
        pltpu.make_async_copy(
            idx_hbm.at[wid, 0], ring.at[pl.ds(0, 2)], semi0).wait()
        pltpu.async_copy(gh_hbm.at[ring.at[0]], buf0, semg0)

        def body(i):
            for b in range(2):
                cur = i + b
                nb = 1 - b

                pltpu.make_async_copy(
                    gh_hbm.at[ring.at[2 * b]], bufs[b], semg[b]).wait()
                pltpu.sync_copy(bufs[b], acc.at[ring.at[2 * b + 1]], add=True)

                @pl.when(cur + 1 < nch)
                def _():
                    pltpu.make_async_copy(
                        idx_hbm.at[wid, cur + 1],
                        ring.at[pl.ds(2 * nb, 2)], semi[nb]).wait()
                    pltpu.async_copy(
                        gh_hbm.at[ring.at[2 * nb]], bufs[nb], semg[nb])

                @pl.when(cur + 2 < nch)
                def _():
                    pltpu.async_copy(
                        idx_hbm.at[wid, cur + 2],
                        ring.at[pl.ds(2 * b, 2)], semi[b])

        pl.loop(0, nch, step=2)(body)
        plsc.subcore_barrier()
        pltpu.sync_copy(
            acc.at[pl.ds(r0, ROWS_PER_TILE)],
            out_hbm.at[cid, pl.ds(r0, ROWS_PER_TILE)])

    return kern(gpad, idxw, z)


@functools.partial(jax.jit, static_argnames=("nch",))
def _sc_degcount_call(dstw, zo, nch):
    W16 = 16

    @functools.partial(
        pl.kernel,
        mesh=_mesh,
        out_type=jax.ShapeDtypeStruct((NC, OUT_ROWS, W16), jnp.float32),
        scratch_types=[
            pltpu.VMEM((nch, CHUNK), jnp.int32),
            pltpu.VMEM((2 * CHUNK, W16), jnp.float32),
            pltpu.VMEM_SHARED((OUT_ROWS, W16), jnp.float32),
        ],
    )
    def kern(dst_hbm, zo_hbm, out_hbm, dstv, zobuf, acc):
        cid = lax.axis_index("c")
        sid = lax.axis_index("s")
        wid = cid * NS + sid

        pltpu.sync_copy(zo_hbm, zobuf)
        for k in range(ZCOPIES):
            pltpu.sync_copy(
                zobuf.at[pl.ds(0, CHUNK)],
                acc.at[pl.ds(sid * ROWS_PER_TILE + k * CHUNK, CHUNK)])
        pltpu.sync_copy(
            zobuf.at[pl.ds(0, ZREM)],
            acc.at[pl.ds(sid * ROWS_PER_TILE + ZCOPIES * CHUNK, ZREM)])
        pltpu.sync_copy(dst_hbm.at[wid], dstv)
        plsc.subcore_barrier()

        def body(i):
            pltpu.sync_copy(
                zobuf.at[pl.ds(CHUNK, CHUNK)], acc.at[dstv.at[i]], add=True)

        pl.loop(0, nch)(body)
        plsc.subcore_barrier()
        pltpu.sync_copy(
            acc.at[pl.ds(sid * ROWS_PER_TILE, ROWS_PER_TILE)],
            out_hbm.at[cid, pl.ds(sid * ROWS_PER_TILE, ROWS_PER_TILE)])

    return kern(dstw, zo)


def _silu(x):
    return x * jax.nn.sigmoid(x)


def _ln(x, g, b):
    m = jnp.mean(x, axis=-1, keepdims=True)
    v = jnp.mean((x - m) ** 2, axis=-1, keepdims=True)
    return (x - m) / jnp.sqrt(v + 1e-5) * g + b


def _conv(p_c, bias, h_ln, dinv, idxw, z128, nch):
    g = dinv[:, None] * (h_ln @ p_c["W"])
    gpad = jnp.concatenate(
        [g, jnp.zeros((OUT_ROWS - N_NODES, D_FEAT), jnp.float32)])
    s2 = _sc_segsum_call(gpad, idxw, z128, nch)
    s = s2[0, :N_NODES] + s2[1, :N_NODES]
    return dinv[:, None] * (s + g) + bias


def _blk(p, x, te, dinv, idxw, z128, nch):
    b1 = p["c1"]["b"] + te @ p["t1"]["W"] + p["t1"]["b"]
    b2 = p["c2"]["b"] + te @ p["t2"]["W"] + p["t2"]["b"]
    h = _ln(x, p["n1g"], p["n1b"])
    h = _conv(p["c1"], b1[0], h, dinv, idxw, z128, nch)
    h = _silu(h)
    h = _ln(h, p["n2g"], p["n2b"])
    h = _conv(p["c2"], b2[0], h, dinv, idxw, z128, nch)
    h = _silu(h)
    s = (x @ p["skip"]["W"] + p["skip"]["b"]) if "skip" in p else x
    return h + s


def kernel(x, t, edge_index, params):
    n = x.shape[0]
    e = edge_index.shape[1]
    assert n == N_NODES

    nch = _nchunks(e, NW)
    pad = NW * nch * CHUNK - e
    src = jnp.concatenate(
        [edge_index[0], jnp.zeros((pad,), jnp.int32)]).reshape(NW, nch, CHUNK)
    dst = jnp.concatenate(
        [edge_index[1], jnp.full((pad,), PAD_ROW, jnp.int32)]
    ).reshape(NW, nch, CHUNK)
    idxw = jnp.stack([src, dst], axis=2)
    z128 = jnp.zeros((CHUNK, D_FEAT), jnp.float32)

    nchd = _nchunks(e, NW)
    padd = NW * nchd * CHUNK - e
    dstd = jnp.concatenate(
        [edge_index[1], jnp.full((padd,), PAD_ROW, jnp.int32)]
    ).reshape(NW, nchd, CHUNK)
    zo16 = jnp.concatenate(
        [jnp.zeros((CHUNK, 16), jnp.float32),
         jnp.ones((CHUNK, 16), jnp.float32)])

    cnt = _sc_degcount_call(dstd, zo16, nchd)
    deg = cnt[0, :N_NODES, 0] + cnt[1, :N_NODES, 0] + 1.0
    dinv = lax.rsqrt(jnp.maximum(deg, 1.0))

    t_in = jnp.asarray(t, jnp.float32).reshape(1)
    te = _silu(t_in @ params["te1"]["W"] + params["te1"]["b"])
    te = te @ params["te2"]["W"] + params["te2"]["b"]

    h = x @ params["inp"]["W"] + params["inp"]["b"]
    skips = [h]
    for p in params["down"]:
        h = _blk(p, h, te, dinv, idxw, z128, nch)
        skips.append(h)
    h = _blk(params["mid"], h, te, dinv, idxw, z128, nch)
    for p, s in zip(params["up"], reversed(skips)):
        h = jnp.concatenate([h, s], axis=-1)
        h = _blk(p, h, te, dinv, idxw, z128, nch)
    return h @ params["out"]["W"] + params["out"]["b"]

# --- scband reference (transcript-rebuilt; emitter-appended) ---
"""Pipeline reference for scband-graph-diffusion-model-5858335392209 (READ-ONLY COPY).

The authoritative reference and input builder live on the scoring server;
editing this copy changes nothing except your own understanding.
"""

import jax, jax.numpy as jnp
import numpy as np

N = 10000
E = 320000
D = 128
H = 128
L = 4


def _lin(k, i, o):
    return {"W": jax.random.normal(k, (i, o), dtype=jnp.float32) * 0.02,
            "b": jnp.zeros((o,), dtype=jnp.float32)}


def _block_params(k, i, o, t):
    ks = jax.random.split(k, 5)
    p = {"n1g": jnp.ones((i,), jnp.float32), "n1b": jnp.zeros((i,), jnp.float32),
         "c1": _lin(ks[0], i, o), "t1": _lin(ks[1], t, o),
         "n2g": jnp.ones((o,), jnp.float32), "n2b": jnp.zeros((o,), jnp.float32),
         "c2": _lin(ks[2], o, o), "t2": _lin(ks[3], t, o)}
    if i != o:
        p["skip"] = _lin(ks[4], i, o)
    return p


def setup_inputs(seed: int = 0):
    key = jax.random.key(seed)
    ks = jax.random.split(key, 16)
    x = jax.random.normal(ks[0], (N, D), dtype=jnp.float32)
    edge_index = jax.random.randint(ks[1], (2, E), 0, N, dtype=jnp.int32)
    params = {
        "te1": _lin(ks[2], 1, H), "te2": _lin(ks[3], H, H),
        "inp": _lin(ks[4], D, H),
        "down": [_block_params(ks[5 + i], H, H, H) for i in range(L)],
        "mid": _block_params(ks[9], H, H, H),
        "up": [_block_params(ks[10 + i], 2 * H, H, H) for i in range(L)],
        "out": _lin(ks[14], H, D),
    }
    return {"x": x, "t": 500, "edge_index": edge_index, "params": params}


def _ln(x, g, b):
    m = jnp.mean(x, axis=-1, keepdims=True)
    v = jnp.mean((x - m) ** 2, axis=-1, keepdims=True)
    return (x - m) / jnp.sqrt(v + 1e-5) * g + b


def _silu(x):
    return x * jax.nn.sigmoid(x)


def _gcn(x, p, src, dst, coef, n):
    h = x @ p["W"]
    msg = h[src] * coef[:, None]
    return jax.ops.segment_sum(msg, dst, num_segments=n) + p["b"]


def _convt(p_c, p_t, x, t_emb, src, dst, coef, n):
    return _gcn(x, p_c, src, dst, coef, n) + (t_emb @ p_t["W"] + p_t["b"])


def _blk(p, x, t_emb, src, dst, coef, n):
    h = _ln(x, p["n1g"], p["n1b"])
    h = _convt(p["c1"], p["t1"], h, t_emb, src, dst, coef, n)
    h = _silu(h)
    h = _ln(h, p["n2g"], p["n2b"])
    h = _convt(p["c2"], p["t2"], h, t_emb, src, dst, coef, n)
    h = _silu(h)
    s = (x @ p["skip"]["W"] + p["skip"]["b"]) if "skip" in p else x
    return h + s


def _unet(params, x, t, src, dst, coef, n):
    t_in = jnp.asarray(t, jnp.float32).reshape(1)
    te = _silu(t_in @ params["te1"]["W"] + params["te1"]["b"])
    te = te @ params["te2"]["W"] + params["te2"]["b"]
    h = x @ params["inp"]["W"] + params["inp"]["b"]
    skips = [h]
    for p in params["down"]:
        h = _blk(p, h, te, src, dst, coef, n)
        skips.append(h)
    h = _blk(params["mid"], h, te, src, dst, coef, n)
    for p, s in zip(params["up"], reversed(skips)):
        h = jnp.concatenate([h, s], axis=-1)
        h = _blk(p, h, te, src, dst, coef, n)
    return h @ params["out"]["W"] + params["out"]["b"]


def reference(x, t, edge_index, params):
    n = x.shape[0]
    loop = jnp.arange(n, dtype=edge_index.dtype)
    src = jnp.concatenate([edge_index[0], loop])
    dst = jnp.concatenate([edge_index[1], loop])
    deg = jax.ops.segment_sum(jnp.ones_like(dst, dtype=x.dtype), dst, num_segments=n)
    dinv = jax.lax.rsqrt(jnp.maximum(deg, 1.0))
    coef = dinv[src] * dinv[dst]
    return _unet(params, x, t, src, dst, coef, n)

if __name__ == "__main__":
    import jax
    _d = setup_inputs()
    print(jax.jit(kernel)(*tuple(_d.values())))

</pallas_src>

<mosaic_0001>
#map = affine_map<(d0, d1) -> (0, 0, 0)>
#map1 = affine_map<(d0, d1) -> (0, 0)>
module attributes {stable_mosaic.version = 14 : i64} {
  func.func @kern(%arg0: i32, %arg1: i32, %arg2: memref<32x80x128xi32, #tpu.memory_space<hbm>>, %arg3: memref<256x16xf32, #tpu.memory_space<hbm>>, %arg4: memref<2x10112x16xf32, #tpu.memory_space<hbm>>, %arg5: memref<80x128xi32, #tpu.memory_space<vmem>>, %arg6: memref<256x16xf32, #tpu.memory_space<vmem>>, %arg7: memref<10112x16xf32, #tpu.memory_space<vmem_shared>>) attributes {dimension_semantics = [#tpu.dimension_semantics<core_parallel>, #tpu.dimension_semantics<subcore_parallel>], iteration_bounds = array<i64: 2, 16>, scalar_prefetch = 0 : i64, scratch_operands = 3 : i64, tpu.core_type = #tpu.core_type<sc_vector_subcore>, window_params = [{transform_indices = #map}, {transform_indices = #map1}, {transform_indices = #map}]} {
    %mul3A = arith.constant 16 : i32
    %mul3A_0 = arith.muli %arg0, %mul3A : i32
    %add3A = arith.addi %mul3A_0, %arg1 : i32
    "tpu.region"() ({
      %run_scoped3A = tpu.sem_alloc : memref<!tpu.dma_semaphore, #tpu.memory_space<semaphore_mem>>
      tpu.enqueue_dma source(%arg3 : memref<256x16xf32, #tpu.memory_space<hbm>>) target(%arg6 : memref<256x16xf32, #tpu.memory_space<vmem>>) target_semaphore(%run_scoped3A : memref<!tpu.dma_semaphore, #tpu.memory_space<semaphore_mem>>)
      tpu.wait_dma2 semaphore(%run_scoped3A : memref<!tpu.dma_semaphore, #tpu.memory_space<semaphore_mem>>) src(%arg3 : memref<256x16xf32, #tpu.memory_space<hbm>>) dst(%arg6 : memref<256x16xf32, #tpu.memory_space<vmem>>)
      tpu.yield
    }) : () -> ()
    %mul3A_1 = arith.constant 632 : i32
    %mul3A_2 = arith.muli %arg1, %mul3A_1 : i32
    %add3A_3 = arith.constant 0 : i32
    %add3A_4 = arith.addi %mul3A_2, %add3A_3 : i32
    "tpu.region"() ({
      %run_scoped3A = tpu.sem_alloc : memref<!tpu.dma_semaphore, #tpu.memory_space<semaphore_mem>>
      %dma_start3A = arith.constant 0 : i32
      %dma_start3A_30 = arith.constant 0 : i32
      %dma_start3A_31 = tpu.memref_slice %arg6[%dma_start3A, %dma_start3A_30] : memref<256x16xf32, #tpu.memory_space<vmem>> -> memref<128x16xf32, #tpu.memory_space<vmem>>
      %dma_start3A_32 = arith.constant 0 : i32
      %dma_start3A_33 = tpu.memref_slice %arg7[%add3A_4, %dma_start3A_32] : memref<10112x16xf32, #tpu.memory_space<vmem_shared>> -> memref<128x16xf32, #tpu.memory_space<vmem_shared>>
      %dma_start3A_34 = arith.constant 0 : i32
      %dma_start3A_35 = tpu.memref_slice %arg7[%add3A_4, %dma_start3A_34] : memref<10112x16xf32, #tpu.memory_space<vmem_shared>> -> memref<128x16xf32, #tpu.memory_space<vmem_shared>>
      %dma_start3A_36 = arith.constant 0 : i32
      %dma_start3A_37 = arith.constant 0 : i32
      %dma_start3A_38 = tpu.memref_slice %arg6[%dma_start3A_36, %dma_start3A_37] : memref<256x16xf32, #tpu.memory_space<vmem>> -> memref<128x16xf32, #tpu.memory_space<vmem>>
      tpu.enqueue_dma source(%dma_start3A_38 : memref<128x16xf32, #tpu.memory_space<vmem>>) target(%dma_start3A_35 : memref<128x16xf32, #tpu.memory_space<vmem_shared>>) target_semaphore(%run_scoped3A : memref<!tpu.dma_semaphore, #tpu.memory_space<semaphore_mem>>)
      %dma_wait3A = arith.constant 0 : i32
      %dma_wait3A_39 = arith.constant 0 : i32
      %dma_wait3A_40 = tpu.memref_slice %arg6[%dma_wait3A, %dma_wait3A_39] : memref<256x16xf32, #tpu.memory_space<vmem>> -> memref<128x16xf32, #tpu.memory_space<vmem>>
      %dma_wait3A_41 = arith.constant 0 : i32
      %dma_wait3A_42 = tpu.memref_slice %arg7[%add3A_4, %dma_wait3A_41] : memref<10112x16xf32, #tpu.memory_space<vmem_shared>> -> memref<128x16xf32, #tpu.memory_space<vmem_shared>>
      %dma_wait3A_43 = arith.constant 0 : i32
      %dma_wait3A_44 = tpu.memref_slice %arg7[%add3A_4, %dma_wait3A_43] : memref<10112x16xf32, #tpu.memory_space<vmem_shared>> -> memref<128x16xf32, #tpu.memory_space<vmem_shared>>
      %dma_wait3A_45 = arith.constant 0 : i32
      %dma_wait3A_46 = arith.constant 0 : i32
      %dma_wait3A_47 = tpu.memref_slice %arg6[%dma_wait3A_45, %dma_wait3A_46] : memref<256x16xf32, #tpu.memory_space<vmem>> -> memref<128x16xf32, #tpu.memory_space<vmem>>
      tpu.wait_dma2 semaphore(%run_scoped3A : memref<!tpu.dma_semaphore, #tpu.memory_space<semaphore_mem>>) src(%dma_wait3A_47 : memref<128x16xf32, #tpu.memory_space<vmem>>) dst(%dma_wait3A_44 : memref<128x16xf32, #tpu.memory_space<vmem_shared>>)
      tpu.yield
    }) : () -> ()
    %mul3A_5 = arith.constant 632 : i32
    %mul3A_6 = arith.muli %arg1, %mul3A_5 : i32
    %add3A_7 = arith.constant 128 : i32
    %add3A_8 = arith.addi %mul3A_6, %add3A_7 : i32
    "tpu.region"() ({
      %run_scoped3A = tpu.sem_alloc : memref<!tpu.dma_semaphore, #tpu.memory_space<semaphore_mem>>
      %dma_start3A = arith.constant 0 : i32
      %dma_start3A_30 = arith.constant 0 : i32
      %dma_start3A_31 = tpu.memref_slice %arg6[%dma_start3A, %dma_start3A_30] : memref<256x16xf32, #tpu.memory_space<vmem>> -> memref<128x16xf32, #tpu.memory_space<vmem>>
      %dma_start3A_32 = arith.constant 0 : i32
      %dma_start3A_33 = tpu.memref_slice %arg7[%add3A_8, %dma_start3A_32] : memref<10112x16xf32, #tpu.memory_space<vmem_shared>> -> memref<128x16xf32, #tpu.memory_space<vmem_shared>>
      %dma_start3A_34 = arith.constant 0 : i32
      %dma_start3A_35 = tpu.memref_slice %arg7[%add3A_8, %dma_start3A_34] : memref<10112x16xf32, #tpu.memory_space<vmem_shared>> -> memref<128x16xf32, #tpu.memory_space<vmem_shared>>
      %dma_start3A_36 = arith.constant 0 : i32
      %dma_start3A_37 = arith.constant 0 : i32
      %dma_start3A_38 = tpu.memref_slice %arg6[%dma_start3A_36, %dma_start3A_37] : memref<256x16xf32, #tpu.memory_space<vmem>> -> memref<128x16xf32, #tpu.memory_space<vmem>>
      tpu.enqueue_dma source(%dma_start3A_38 : memref<128x16xf32, #tpu.memory_space<vmem>>) target(%dma_start3A_35 : memref<128x16xf32, #tpu.memory_space<vmem_shared>>) target_semaphore(%run_scoped3A : memref<!tpu.dma_semaphore, #tpu.memory_space<semaphore_mem>>)
      %dma_wait3A = arith.constant 0 : i32
      %dma_wait3A_39 = arith.constant 0 : i32
      %dma_wait3A_40 = tpu.memref_slice %arg6[%dma_wait3A, %dma_wait3A_39] : memref<256x16xf32, #tpu.memory_space<vmem>> -> memref<128x16xf32, #tpu.memory_space<vmem>>
      %dma_wait3A_41 = arith.constant 0 : i32
      %dma_wait3A_42 = tpu.memref_slice %arg7[%add3A_8, %dma_wait3A_41] : memref<10112x16xf32, #tpu.memory_space<vmem_shared>> -> memref<128x16xf32, #tpu.memory_space<vmem_shared>>
      %dma_wait3A_43 = arith.constant 0 : i32
      %dma_wait3A_44 = tpu.memref_slice %arg7[%add3A_8, %dma_wait3A_43] : memref<10112x16xf32, #tpu.memory_space<vmem_shared>> -> memref<128x16xf32, #tpu.memory_space<vmem_shared>>
      %dma_wait3A_45 = arith.constant 0 : i32
      %dma_wait3A_46 = arith.constant 0 : i32
      %dma_wait3A_47 = tpu.memref_slice %arg6[%dma_wait3A_45, %dma_wait3A_46] : memref<256x16xf32, #tpu.memory_space<vmem>> -> memref<128x16xf32, #tpu.memory_space<vmem>>
      tpu.wait_dma2 semaphore(%run_scoped3A : memref<!tpu.dma_semaphore, #tpu.memory_space<semaphore_mem>>) src(%dma_wait3A_47 : memref<128x16xf32, #tpu.memory_space<vmem>>) dst(%dma_wait3A_44 : memref<128x16xf32, #tpu.memory_space<vmem_shared>>)
      tpu.yield
    }) : () -> ()
    %mul3A_9 = arith.constant 632 : i32
    %mul3A_10 = arith.muli %arg1, %mul3A_9 : i32
    %add3A_11 = arith.constant 256 : i32
    %add3A_12 = arith.addi %mul3A_10, %add3A_11 : i32
    "tpu.region"() ({
      %run_scoped3A = tpu.sem_alloc : memref<!tpu.dma_semaphore, #tpu.memory_space<semaphore_mem>>
      %dma_start3A = arith.constant 0 : i32
      %dma_start3A_30 = arith.constant 0 : i32
      %dma_start3A_31 = tpu.memref_slice %arg6[%dma_start3A, %dma_start3A_30] : memref<256x16xf32, #tpu.memory_space<vmem>> -> memref<128x16xf32, #tpu.memory_space<vmem>>
      %dma_start3A_32 = arith.constant 0 : i32
      %dma_start3A_33 = tpu.memref_slice %arg7[%add3A_12, %dma_start3A_32] : memref<10112x16xf32, #tpu.memory_space<vmem_shared>> -> memref<128x16xf32, #tpu.memory_space<vmem_shared>>
      %dma_start3A_34 = arith.constant 0 : i32
      %dma_start3A_35 = tpu.memref_slice %arg7[%add3A_12, %dma_start3A_34] : memref<10112x16xf32, #tpu.memory_space<vmem_shared>> -> memref<128x16xf32, #tpu.memory_space<vmem_shared>>
      %dma_start3A_36 = arith.constant 0 : i32
      %dma_start3A_37 = arith.constant 0 : i32
      %dma_start3A_38 = tpu.memref_slice %arg6[%dma_start3A_36, %dma_start3A_37] : memref<256x16xf32, #tpu.memory_space<vmem>> -> memref<128x16xf32, #tpu.memory_space<vmem>>
      tpu.enqueue_dma source(%dma_start3A_38 : memref<128x16xf32, #tpu.memory_space<vmem>>) target(%dma_start3A_35 : memref<128x16xf32, #tpu.memory_space<vmem_shared>>) target_semaphore(%run_scoped3A : memref<!tpu.dma_semaphore, #tpu.memory_space<semaphore_mem>>)
      %dma_wait3A = arith.constant 0 : i32
      %dma_wait3A_39 = arith.constant 0 : i32
      %dma_wait3A_40 = tpu.memref_slice %arg6[%dma_wait3A, %dma_wait3A_39] : memref<256x16xf32, #tpu.memory_space<vmem>> -> memref<128x16xf32, #tpu.memory_space<vmem>>
      %dma_wait3A_41 = arith.constant 0 : i32
      %dma_wait3A_42 = tpu.memref_slice %arg7[%add3A_12, %dma_wait3A_41] : memref<10112x16xf32, #tpu.memory_space<vmem_shared>> -> memref<128x16xf32, #tpu.memory_space<vmem_shared>>
      %dma_wait3A_43 = arith.constant 0 : i32
      %dma_wait3A_44 = tpu.memref_slice %arg7[%add3A_12, %dma_wait3A_43] : memref<10112x16xf32, #tpu.memory_space<vmem_shared>> -> memref<128x16xf32, #tpu.memory_space<vmem_shared>>
      %dma_wait3A_45 = arith.constant 0 : i32
      %dma_wait3A_46 = arith.constant 0 : i32
      %dma_wait3A_47 = tpu.memref_slice %arg6[%dma_wait3A_45, %dma_wait3A_46] : memref<256x16xf32, #tpu.memory_space<vmem>> -> memref<128x16xf32, #tpu.memory_space<vmem>>
      tpu.wait_dma2 semaphore(%run_scoped3A : memref<!tpu.dma_semaphore, #tpu.memory_space<semaphore_mem>>) src(%dma_wait3A_47 : memref<128x16xf32, #tpu.memory_space<vmem>>) dst(%dma_wait3A_44 : memref<128x16xf32, #tpu.memory_space<vmem_shared>>)
      tpu.yield
    }) : () -> ()
    %mul3A_13 = arith.constant 632 : i32
    %mul3A_14 = arith.muli %arg1, %mul3A_13 : i32
    %add3A_15 = arith.constant 384 : i32
    %add3A_16 = arith.addi %mul3A_14, %add3A_15 : i32
    "tpu.region"() ({
      %run_scoped3A = tpu.sem_alloc : memref<!tpu.dma_semaphore, #tpu.memory_space<semaphore_mem>>
      %dma_start3A = arith.constant 0 : i32
      %dma_start3A_30 = arith.constant 0 : i32
      %dma_start3A_31 = tpu.memref_slice %arg6[%dma_start3A, %dma_start3A_30] : memref<256x16xf32, #tpu.memory_space<vmem>> -> memref<128x16xf32, #tpu.memory_space<vmem>>
      %dma_start3A_32 = arith.constant 0 : i32
      %dma_start3A_33 = tpu.memref_slice %arg7[%add3A_16, %dma_start3A_32] : memref<10112x16xf32, #tpu.memory_space<vmem_shared>> -> memref<128x16xf32, #tpu.memory_space<vmem_shared>>
      %dma_start3A_34 = arith.constant 0 : i32
      %dma_start3A_35 = tpu.memref_slice %arg7[%add3A_16, %dma_start3A_34] : memref<10112x16xf32, #tpu.memory_space<vmem_shared>> -> memref<128x16xf32, #tpu.memory_space<vmem_shared>>
      %dma_start3A_36 = arith.constant 0 : i32
      %dma_start3A_37 = arith.constant 0 : i32
      %dma_start3A_38 = tpu.memref_slice %arg6[%dma_start3A_36, %dma_start3A_37] : memref<256x16xf32, #tpu.memory_space<vmem>> -> memref<128x16xf32, #tpu.memory_space<vmem>>
      tpu.enqueue_dma source(%dma_start3A_38 : memref<128x16xf32, #tpu.memory_space<vmem>>) target(%dma_start3A_35 : memref<128x16xf32, #tpu.memory_space<vmem_shared>>) target_semaphore(%run_scoped3A : memref<!tpu.dma_semaphore, #tpu.memory_space<semaphore_mem>>)
      %dma_wait3A = arith.constant 0 : i32
      %dma_wait3A_39 = arith.constant 0 : i32
      %dma_wait3A_40 = tpu.memref_slice %arg6[%dma_wait3A, %dma_wait3A_39] : memref<256x16xf32, #tpu.memory_space<vmem>> -> memref<128x16xf32, #tpu.memory_space<vmem>>
      %dma_wait3A_41 = arith.constant 0 : i32
      %dma_wait3A_42 = tpu.memref_slice %arg7[%add3A_16, %dma_wait3A_41] : memref<10112x16xf32, #tpu.memory_space<vmem_shared>> -> memref<128x16xf32, #tpu.memory_space<vmem_shared>>
      %dma_wait3A_43 = arith.constant 0 : i32
      %dma_wait3A_44 = tpu.memref_slice %arg7[%add3A_16, %dma_wait3A_43] : memref<10112x16xf32, #tpu.memory_space<vmem_shared>> -> memref<128x16xf32, #tpu.memory_space<vmem_shared>>
      %dma_wait3A_45 = arith.constant 0 : i32
      %dma_wait3A_46 = arith.constant 0 : i32
      %dma_wait3A_47 = tpu.memref_slice %arg6[%dma_wait3A_45, %dma_wait3A_46] : memref<256x16xf32, #tpu.memory_space<vmem>> -> memref<128x16xf32, #tpu.memory_space<vmem>>
      tpu.wait_dma2 semaphore(%run_scoped3A : memref<!tpu.dma_semaphore, #tpu.memory_space<semaphore_mem>>) src(%dma_wait3A_47 : memref<128x16xf32, #tpu.memory_space<vmem>>) dst(%dma_wait3A_44 : memref<128x16xf32, #tpu.memory_space<vmem_shared>>)
      tpu.yield
    }) : () -> ()
    %mul3A_17 = arith.constant 632 : i32
    %mul3A_18 = arith.muli %arg1, %mul3A_17 : i32
    %add3A_19 = arith.constant 512 : i32
    %add3A_20 = arith.addi %mul3A_18, %add3A_19 : i32
    "tpu.region"() ({
      %run_scoped3A = tpu.sem_alloc : memref<!tpu.dma_semaphore, #tpu.memory_space<semaphore_mem>>
      %dma_start3A = arith.constant 0 : i32
      %dma_start3A_30 = arith.constant 0 : i32
      %dma_start3A_31 = tpu.memref_slice %arg6[%dma_start3A, %dma_start3A_30] : memref<256x16xf32, #tpu.memory_space<vmem>> -> memref<120x16xf32, #tpu.memory_space<vmem>>
      %dma_start3A_32 = arith.constant 0 : i32
      %dma_start3A_33 = tpu.memref_slice %arg7[%add3A_20, %dma_start3A_32] : memref<10112x16xf32, #tpu.memory_space<vmem_shared>> -> memref<120x16xf32, #tpu.memory_space<vmem_shared>>
      %dma_start3A_34 = arith.constant 0 : i32
      %dma_start3A_35 = tpu.memref_slice %arg7[%add3A_20, %dma_start3A_34] : memref<10112x16xf32, #tpu.memory_space<vmem_shared>> -> memref<120x16xf32, #tpu.memory_space<vmem_shared>>
      %dma_start3A_36 = arith.constant 0 : i32
      %dma_start3A_37 = arith.constant 0 : i32
      %dma_start3A_38 = tpu.memref_slice %arg6[%dma_start3A_36, %dma_start3A_37] : memref<256x16xf32, #tpu.memory_space<vmem>> -> memref<120x16xf32, #tpu.memory_space<vmem>>
      tpu.enqueue_dma source(%dma_start3A_38 : memref<120x16xf32, #tpu.memory_space<vmem>>) target(%dma_start3A_35 : memref<120x16xf32, #tpu.memory_space<vmem_shared>>) target_semaphore(%run_scoped3A : memref<!tpu.dma_semaphore, #tpu.memory_space<semaphore_mem>>)
      %dma_wait3A = arith.constant 0 : i32
      %dma_wait3A_39 = arith.constant 0 : i32
      %dma_wait3A_40 = tpu.memref_slice %arg6[%dma_wait3A, %dma_wait3A_39] : memref<256x16xf32, #tpu.memory_space<vmem>> -> memref<120x16xf32, #tpu.memory_space<vmem>>
      %dma_wait3A_41 = arith.constant 0 : i32
      %dma_wait3A_42 = tpu.memref_slice %arg7[%add3A_20, %dma_wait3A_41] : memref<10112x16xf32, #tpu.memory_space<vmem_shared>> -> memref<120x16xf32, #tpu.memory_space<vmem_shared>>
      %dma_wait3A_43 = arith.constant 0 : i32
      %dma_wait3A_44 = tpu.memref_slice %arg7[%add3A_20, %dma_wait3A_43] : memref<10112x16xf32, #tpu.memory_space<vmem_shared>> -> memref<120x16xf32, #tpu.memory_space<vmem_shared>>
      %dma_wait3A_45 = arith.constant 0 : i32
      %dma_wait3A_46 = arith.constant 0 : i32
      %dma_wait3A_47 = tpu.memref_slice %arg6[%dma_wait3A_45, %dma_wait3A_46] : memref<256x16xf32, #tpu.memory_space<vmem>> -> memref<120x16xf32, #tpu.memory_space<vmem>>
      tpu.wait_dma2 semaphore(%run_scoped3A : memref<!tpu.dma_semaphore, #tpu.memory_space<semaphore_mem>>) src(%dma_wait3A_47 : memref<120x16xf32, #tpu.memory_space<vmem>>) dst(%dma_wait3A_44 : memref<120x16xf32, #tpu.memory_space<vmem_shared>>)
      tpu.yield
    }) : () -> ()
    "tpu.region"() ({
      %run_scoped3A = tpu.sem_alloc : memref<!tpu.dma_semaphore, #tpu.memory_space<semaphore_mem>>
      %dma_start3A = arith.constant 0 : i32
      %dma_start3A_30 = arith.constant 0 : i32
      %dma_start3A_31 = tpu.memref_slice %arg2[%add3A, %dma_start3A, %dma_start3A_30] : memref<32x80x128xi32, #tpu.memory_space<hbm>> -> memref<1x80x128xi32, #tpu.memory_space<hbm>>
      %dma_start3A_32 = tpu.memref_squeeze %dma_start3A_31 : memref<1x80x128xi32, #tpu.memory_space<hbm>> -> memref<80x128xi32, #tpu.memory_space<hbm>>
      %dma_start3A_33 = arith.constant 0 : i32
      %dma_start3A_34 = arith.constant 0 : i32
      %dma_start3A_35 = tpu.memref_slice %arg2[%add3A, %dma_start3A_33, %dma_start3A_34] : memref<32x80x128xi32, #tpu.memory_space<hbm>> -> memref<1x80x128xi32, #tpu.memory_space<hbm>>
      %dma_start3A_36 = tpu.memref_squeeze %dma_start3A_35 : memref<1x80x128xi32, #tpu.memory_space<hbm>> -> memref<80x128xi32, #tpu.memory_space<hbm>>
      tpu.enqueue_dma source(%dma_start3A_36 : memref<80x128xi32, #tpu.memory_space<hbm>>) target(%arg5 : memref<80x128xi32, #tpu.memory_space<vmem>>) target_semaphore(%run_scoped3A : memref<!tpu.dma_semaphore, #tpu.memory_space<semaphore_mem>>)
      %dma_wait3A = arith.constant 0 : i32
      %dma_wait3A_37 = arith.constant 0 : i32
      %dma_wait3A_38 = tpu.memref_slice %arg2[%add3A, %dma_wait3A, %dma_wait3A_37] : memref<32x80x128xi32, #tpu.memory_space<hbm>> -> memref<1x80x128xi32, #tpu.memory_space<hbm>>
      %dma_wait3A_39 = tpu.memref_squeeze %dma_wait3A_38 : memref<1x80x128xi32, #tpu.memory_space<hbm>> -> memref<80x128xi32, #tpu.memory_space<hbm>>
      %dma_wait3A_40 = arith.constant 0 : i32
      %dma_wait3A_41 = arith.constant 0 : i32
      %dma_wait3A_42 = tpu.memref_slice %arg2[%add3A, %dma_wait3A_40, %dma_wait3A_41] : memref<32x80x128xi32, #tpu.memory_space<hbm>> -> memref<1x80x128xi32, #tpu.memory_space<hbm>>
      %dma_wait3A_43 = tpu.memref_squeeze %dma_wait3A_42 : memref<1x80x128xi32, #tpu.memory_space<hbm>> -> memref<80x128xi32, #tpu.memory_space<hbm>>
      tpu.wait_dma2 semaphore(%run_scoped3A : memref<!tpu.dma_semaphore, #tpu.memory_space<semaphore_mem>>) src(%dma_wait3A_43 : memref<80x128xi32, #tpu.memory_space<hbm>>) dst(%arg5 : memref<80x128xi32, #tpu.memory_space<vmem>>)
      tpu.yield
    }) : () -> ()
    %barrier3A = arith.constant 0 : index
    tpu.barrier barrier_id(%barrier3A)
    %scan3A = arith.constant 0 : i32
    %scan3A_21 = arith.constant 80 : i32
    %scan3A_22 = arith.addi %scan3A, %scan3A_21 : i32
    %scan3A_23 = arith.constant 1 : i32
    scf.for %scan3A_30 = %scan3A to %scan3A_22 step %scan3A_23  : i32 {
      %mul3A_31 = arith.constant 1 : i32
      %mul3A_32 = arith.muli %scan3A_30, %mul3A_31 : i32
      %add3A_33 = arith.constant 0 : i32
      %add3A_34 = arith.addi %add3A_33, %mul3A_32 : i32
      "tpu.region"() ({
        %run_scoped3A = tpu.sem_alloc : memref<!tpu.dma_semaphore, #tpu.memory_space<semaphore_mem>>
        %dma_start3A = arith.constant 128 : i32
        %dma_start3A_35 = arith.constant 0 : i32
        %dma_start3A_36 = tpu.memref_slice %arg6[%dma_start3A, %dma_start3A_35] : memref<256x16xf32, #tpu.memory_space<vmem>> -> memref<128x16xf32, #tpu.memory_space<vmem>>
        %dma_start3A_37 = arith.constant 0 : i32
        %dma_start3A_38 = tpu.memref_slice %arg5[%add3A_34, %dma_start3A_37] : memref<80x128xi32, #tpu.memory_space<vmem>> -> memref<1x128xi32, #tpu.memory_space<vmem>>
        %dma_start3A_39 = tpu.memref_squeeze %dma_start3A_38 : memref<1x128xi32, #tpu.memory_space<vmem>> -> memref<128xi32, #tpu.memory_space<vmem>>
        %dma_start3A_40 = arith.constant 0 : i32
        %dma_start3A_41 = arith.constant 0 : i32
        %dma_start3A_42 = tpu.memref_slice %arg7[%dma_start3A_40, %dma_start3A_41] : memref<10112x16xf32, #tpu.memory_space<vmem_shared>> -> memref<10112x16xf32, #tpu.memory_space<vmem_shared>>
        tpu.enqueue_indirect_dma source(%dma_start3A_36 : memref<128x16xf32, #tpu.memory_space<vmem>>) target(%dma_start3A_42 : memref<10112x16xf32, #tpu.memory_space<vmem_shared>>) offsets(%dma_start3A_39 : memref<128xi32, #tpu.memory_space<vmem>>) semaphore(%run_scoped3A : memref<!tpu.dma_semaphore, #tpu.memory_space<semaphore_mem>>) {add = true}
        %dma_wait3A = arith.constant 128 : i32
        %dma_wait3A_43 = arith.constant 0 : i32
        %dma_wait3A_44 = tpu.memref_slice %arg6[%dma_wait3A, %dma_wait3A_43] : memref<256x16xf32, #tpu.memory_space<vmem>> -> memref<128x16xf32, #tpu.memory_space<vmem>>
        %dma_wait3A_45 = arith.constant 0 : i32
        %dma_wait3A_46 = tpu.memref_slice %arg5[%add3A_34, %dma_wait3A_45] : memref<80x128xi32, #tpu.memory_space<vmem>> -> memref<1x128xi32, #tpu.memory_space<vmem>>
        %dma_wait3A_47 = tpu.memref_squeeze %dma_wait3A_46 : memref<1x128xi32, #tpu.memory_space<vmem>> -> memref<128xi32, #tpu.memory_space<vmem>>
        %dma_wait3A_48 = arith.constant 0 : i32
        %dma_wait3A_49 = arith.constant 0 : i32
        %dma_wait3A_50 = tpu.memref_slice %arg7[%dma_wait3A_48, %dma_wait3A_49] : memref<10112x16xf32, #tpu.memory_space<vmem_shared>> -> memref<10112x16xf32, #tpu.memory_space<vmem_shared>>
        tpu.wait_indirect_dma semaphore(%run_scoped3A : memref<!tpu.dma_semaphore, #tpu.memory_space<semaphore_mem>>) src(%dma_wait3A_44 : memref<128x16xf32, #tpu.memory_space<vmem>>) dst(%dma_wait3A_50 : memref<10112x16xf32, #tpu.memory_space<vmem_shared>>)
        tpu.yield
      }) : () -> ()
    }
    %scan3A_24 = arith.constant 80 : i32
    %barrier3A_25 = arith.constant 0 : index
    tpu.barrier barrier_id(%barrier3A_25)
    %mul3A_26 = arith.constant 632 : i32
    %mul3A_27 = arith.muli %arg1, %mul3A_26 : i32
    %mul3A_28 = arith.constant 632 : i32
    %mul3A_29 = arith.muli %arg1, %mul3A_28 : i32
    "tpu.region"() ({
      %run_scoped3A = tpu.sem_alloc : memref<!tpu.dma_semaphore, #tpu.memory_space<semaphore_mem>>
      %dma_start3A = arith.constant 0 : i32
      %dma_start3A_30 = tpu.memref_slice %arg4[%arg0, %mul3A_29, %dma_start3A] : memref<2x10112x16xf32, #tpu.memory_space<hbm>> -> memref<1x632x16xf32, #tpu.memory_space<hbm>>
      %dma_start3A_31 = tpu.memref_squeeze %dma_start3A_30 : memref<1x632x16xf32, #tpu.memory_space<hbm>> -> memref<632x16xf32, #tpu.memory_space<hbm>>
      %dma_start3A_32 = arith.constant 0 : i32
      %dma_start3A_33 = tpu.memref_slice %arg7[%mul3A_27, %dma_start3A_32] : memref<10112x16xf32, #tpu.memory_space<vmem_shared>> -> memref<632x16xf32, #tpu.memory_space<vmem_shared>>
      tpu.enqueue_dma source(%dma_start3A_33 : memref<632x16xf32, #tpu.memory_space<vmem_shared>>) target(%dma_start3A_31 : memref<632x16xf32, #tpu.memory_space<hbm>>) target_semaphore(%run_scoped3A : memref<!tpu.dma_semaphore, #tpu.memory_space<semaphore_mem>>)
      %dma_wait3A = arith.constant 0 : i32
      %dma_wait3A_34 = tpu.memref_slice %arg4[%arg0, %mul3A_29, %dma_wait3A] : memref<2x10112x16xf32, #tpu.memory_space<hbm>> -> memref<1x632x16xf32, #tpu.memory_space<hbm>>
      %dma_wait3A_35 = tpu.memref_squeeze %dma_wait3A_34 : memref<1x632x16xf32, #tpu.memory_space<hbm>> -> memref<632x16xf32, #tpu.memory_space<hbm>>
      %dma_wait3A_36 = arith.constant 0 : i32
      %dma_wait3A_37 = tpu.memref_slice %arg7[%mul3A_27, %dma_wait3A_36] : memref<10112x16xf32, #tpu.memory_space<vmem_shared>> -> memref<632x16xf32, #tpu.memory_space<vmem_shared>>
      tpu.wait_dma2 semaphore(%run_scoped3A : memref<!tpu.dma_semaphore, #tpu.memory_space<semaphore_mem>>) src(%dma_wait3A_37 : memref<632x16xf32, #tpu.memory_space<vmem_shared>>) dst(%dma_wait3A_35 : memref<632x16xf32, #tpu.memory_space<hbm>>)
      tpu.yield
    }) : () -> ()
    return
  }
}

</mosaic_0001>

<sc_bundles>
// kernel: _sc_degcount_call.3.cloned.1.call-start
scs
__scs_entry_jumppad:
0x0: {  	(pc) =	sbr.rel $0x88, $3  }
0x1: {  	(tag) =	ssettag $0x0;
	lr =	simm.s32 $0x1  }
0x2: {  	[smem:$0x3F9F] =	sst lr;
	_ =	strace $0xD0000000  }
0x3: {  	_ = 	snop  }
0x4: {  	_ = 	snop  }
0x5: {  	_ = 	snop  }
0x6: {  	_ = 	snop  }
0x7: {  	_ = 	snop  }
__scs_overlays_trampoline_lowered:
0x8: {  	[smem:$0x3FAE] =	sst s0  }
0x9: {  	[smem:$0x3FAF] =	sst s1  }
0xa: {  	[smem:$0x3FB0] =	sst s2  }
0xb: {  	[smem:$0x3FB1] =	sst s3  }
0xc: {  	[smem:$0x3FB2] =	sst s4  }
0xd: {  	[smem:$0x3FB3] =	sst s5  }
0xe: {  	[smem:$0x3FB4] =	sst s6  }
0xf: {  	[smem:$0x3FB5] =	sst s7  }
0x10: {  	[smem:$0x3FB6] =	sst s8  }
0x11: {  	[smem:$0x3FB7] =	sst s9;
	s0 =	simm.s32 @!p0 $0x0  }
0x12: {  	s1 =	sld [smem:$0x3F9D];
	s0 =	simm.s32 @p0 $0x1  }
0x13: {  	[smem:$0x3FB8] =	sst s0;
	s0 =	simm.s32 @!p1 $0x0  }
0x14: {  	s2 =	sld [smem:$0x3F9C];
	s0 =	simm.s32 @p1 $0x1  }
0x15: {  	[smem:$0x3FB9] =	sst s0;
	s0 =	simm.s32 @!p2 $0x0  }
0x16: {  	s3 =	sld [smem:$0x3FDB];
	s0 =	simm.s32 @p2 $0x1  }
0x17: {  	s4 =	simm.s32 $0x1BF5;
	[smem:$0x3FBB] =	sst s0  }
0x18: {  	s0 =	sld [smem:$0x3F9E];
	_ =	swait.ge [sflag:s4], $0x0  }
0x19: {  	s7 =	sld [smem:$0x3F9F]  }
0x1a: {  	s8 =	sadd.s32 $0xFFFFE003, lr  }
0x1b: {  	s9 =	sadd.s32 $0xFFFFFEF7, lr;
	s5 =	simm.s32 $0xFFFFFFFF;
	p2 =	slt.u32 s8, $0xFFFFF086  }
0x1c: {  	p1 =	slt.u32 s9, $0xF7A;
	s5 =	simm.s32 @!p2 $0x0  }
0x1d: {  	s5 =	simm.s32 @p1 $0x1;
	p0 =	seq.s32 s7, s2  }
0x1e: {  	s7 =	smul.u32 @!p0 $0xF7A, s2;
	p2 =	seq.s32 @!p0 s5, $0x0  }
0x1f: {  	s9 =	smul.u32 $0xF7A, s1;
	s8 =	simm.s32 @!p0 $0x1BF5;
	p2 =	por !p2, p0  }
0x20: {  	[sflag:s8] =	ssyncset.s32 @!p0 $0xFFFFF086;
	s6 =	sadd.s32 @!p0 s3, s7;
	s7 =	simm.s32 @!p0 $0x108  }
0x21: {  	s3 =	sadd.s32 s3, s9;
	s6 =	sadd.s32 @!p0 $0x88, s6;
	s7 =	simm.s32 @p2 $0x1082  }
0x22: {  	[simem:s7], [sflag:s8] =	dma.local @!p0 [hbm:s6], $0xF7A  }
0x23: {  	s9 =	sor.u32 $0xD0000000, s2;
	s6 =	simm.s32 $0x108;
	_ =	swait.ge @!p0 [sflag:s8], $0x0  }
0x24: {  	s3 =	sadd.s32 $0x88, s3;
	s6 =	simm.s32 @!p1 $0x1082;
	[sflag:s4] =	ssyncset.s32 $0xFFFFF086  }
0x25: {  	[simem:s6], [sflag:s4] =	dma.local [hbm:s3], $0xF7A  }
0x26: {  	[smem:$0x3F9F] =	sst s1;
	(tag) =	ssettag s2;
	_ =	strace s9  }
0x27: {  	s1 =	sld [smem:$0x3FAF]  }
0x28: {  	s2 =	sld [smem:$0x3FB0]  }
0x29: {  	s4 =	sld [smem:$0x3FB2]  }
0x2a: {  	p0 =	seq.s32 s5, $0x0;
	s5 =	sld [smem:$0x3FB3]  }
0x2b: {  	s6 =	sld [smem:$0x3FB4]  }
0x2c: {  	s7 =	sld [smem:$0x3FB5]  }
0x2d: {  	s3 =	simm.s32 $0x108;
	s8 =	sld [smem:$0x3FB6]  }
0x2e: {  	s3 =	simm.s32 @!p0 $0x1082;
	s9 =	sld [smem:$0x3FB7]  }
0x2f: {  	lr =	sadd.s32 s0, s3;
	s0 =	sld [smem:$0x3FAE]  }
0x30: {  	s3 =	sld [smem:$0x3FB1]  }
0x31: {  	[smem:$0x3FBA] =	sst s10  }
0x32: {  	s10 =	sld [smem:$0x3FB8];
	_ =	sdelay $0x3  }
0x33: {  	p0 =	seq.s32 s10, $0x1;
	s10 =	sld [smem:$0x3FBA];
	_ =	sdelay $0x3  }
0x34: {  	[smem:$0x3FBA] =	sst s10  }
0x35: {  	s10 =	sld [smem:$0x3FB9];
	_ =	sdelay $0x3  }
0x36: {  	p1 =	seq.s32 s10, $0x1;
	s10 =	sld [smem:$0x3FBA];
	_ =	sdelay $0x3  }
0x37: {  	[smem:$0x3FBA] =	sst s10  }
0x38: {  	s10 =	sld [smem:$0x3FBB]  }
0x39: {  	_ = 	snop;
	(pc) =	sbr.ind lr, $3  }
0x3a: {  	_ = 	snop  }
0x3b: {  	_ = 	snop  }
0x3c: {  	p2 =	seq.s32 s10, $0x1;
	s10 =	sld [smem:$0x3FBA]  }
0x3d: {  	_ =	shalt  }
0x3e: {  	_ =	shalt  }
0x3f: {  	_ =	shalt  }
0x40: {  	_ =	shalt  }
0x41: {  	_ =	shalt  }
0x42: {  	_ =	shalt  }
0x43: {  	_ =	shalt  }
0x44: {  	_ =	shalt  }
0x45: {  	_ =	shalt  }
0x46: {  	_ =	shalt  }
0x47: {  	_ =	shalt  }
0x48: {  	_ =	shalt  }
0x49: {  	_ =	shalt  }
0x4a: {  	_ =	shalt  }
0x4b: {  	_ =	shalt  }
0x4c: {  	_ =	shalt  }
0x4d: {  	_ =	shalt  }
0x4e: {  	_ =	shalt  }
0x4f: {  	_ =	shalt  }
0x50: {  	_ =	shalt  }
0x51: {  	_ =	shalt  }
0x52: {  	_ =	shalt  }
0x53: {  	_ =	shalt  }
0x54: {  	_ =	shalt  }
0x55: {  	_ =	shalt  }
0x56: {  	_ =	shalt  }
0x57: {  	_ =	shalt  }
0x58: {  	_ =	shalt  }
0x59: {  	_ =	shalt  }
0x5a: {  	_ =	shalt  }
0x5b: {  	_ =	shalt  }
0x5c: {  	_ =	shalt  }
0x5d: {  	_ =	shalt  }
0x5e: {  	_ =	shalt  }
0x5f: {  	_ =	shalt  }
0x60: {  	_ =	shalt  }
0x61: {  	_ =	shalt  }
0x62: {  	_ =	shalt  }
0x63: {  	_ =	shalt  }
0x64: {  	_ =	shalt  }
0x65: {  	_ =	shalt  }
0x66: {  	_ =	shalt  }
0x67: {  	_ =	shalt  }
0x68: {  	_ =	shalt  }
0x69: {  	_ =	shalt  }
0x6a: {  	_ =	shalt  }
0x6b: {  	_ =	shalt  }
0x6c: {  	_ =	shalt  }
0x6d: {  	_ =	shalt  }
0x6e: {  	_ =	shalt  }
0x6f: {  	_ =	shalt  }
0x70: {  	_ =	shalt  }
0x71: {  	_ =	shalt  }
0x72: {  	_ =	shalt  }
0x73: {  	_ =	shalt  }
0x74: {  	_ =	shalt  }
0x75: {  	_ =	shalt  }
0x76: {  	_ =	shalt  }
0x77: {  	_ =	shalt  }
0x78: {  	_ =	shalt  }
0x79: {  	_ =	shalt  }
0x7a: {  	_ =	shalt  }
0x7b: {  	_ =	shalt  }
0x7c: {  	_ =	shalt  }
0x7d: {  	_ =	shalt  }
0x7e: {  	_ =	shalt  }
0x7f: {  	_ =	shalt  }
0x80: {  	_ =	shalt  }
0x81: {  	_ =	shalt  }
0x82: {  	_ =	shalt  }
0x83: {  	_ =	shalt  }
0x84: {  	_ =	shalt  }
0x85: {  	_ =	shalt  }
0x86: {  	_ =	shalt  }
0x87: {  	_ =	shalt  }
.Lfunc_end0:
.L_simem_size_0:
called_computation_lowered:
.L_overlay_start_0:
0x88: {  	s2 =	sld [smem:$0x3FD9]  }
0x89: {  	s3 =	sld [smem:$0x3FFE];
	_ =	sdelay $0x1  }
0x8a: {  	s1 =	srdreg.scid  }
0x8b: {  	s0 =	sand.u32 $0x1, s1  }
0x8c: {  	s17 =	sshll.u32 s0, $0xA;
	s2 =	sadd.s32 s3, s2  }
0x8d: {  	s2 =	sadd.s32 s2, s17  }
0x8e: {  	[smem:$0x3FC6] =	sst s2  }
0x8f: {  	_ = 	snop  }
0x90: {  	s2 =	sld [smem:$0x3FC9]  }
0x91: {  	s18 =	sld [smem:$0x3FD0];
	(tm) =	ssettm $0x1  }
0x92: {  	s4 =	sld [smem:$0x3FFB];
	_ =	sdelay $0x3  }
0x93: {  	_ =	strace s4  }
0x94: {  	s4 =	sld [smem:$0x3FFC];
	_ =	sdelay $0x3  }
0x95: {  	_ =	strace s4  }
0x96: {  	s4 =	sld [smem:$0x3FFD];
	_ =	sdelay $0x3  }
0x97: {  	_ =	strace s4  }
0x98: {  	_ =	strace $0x8FFFFFFF  }
0x99: {  	s19 =	sld [smem:$0x3FDB];
	_ =	sdelay $0x1  }
0x9a: {  	s5 =	simm.s32 $_scs_section_size  }
0x9b: {  	s6 =	simm.s32 $_size__tile_overlayer_lowered;
	s7 =	simm.s32 $_tile_overlayer_lowered  }
0x9c: {  	s22 =	simm.s32 $0x1BFF;
	s21 =	sshll.u32 s7, $0x1;
	s4 =	sadd.s32 s5, s19  }
0x9d: {  	s8 =	simm.s32 $0x0;
	s20 =	sshll.u32 s6, $0x1;
	s6 =	sadd.s32 s21, s4  }
0x9e: {  	[timem:s8], [sflag:s22] =	dma.local [hbm:s6], s20  }
0x9f: {  	_ =	swait.ge [sflag:s22], s20  }
0xa0: {  	s5 =	ssub.s32 $0x0, s20;
	[sflag:s22] =	ssyncset.done $0x0  }
0xa1: {  	[sflag:s22] =	ssyncadd.s32 s5;
	_ =	sdelay $0x1  }
0xa2: {  	s23 =	simm.s32 $0x1B8B  }
0xa3: {  	_ =	swait.ge [sflag:s23], $0x1  }
0xa4: {  	[sflag:s23] =	ssyncset.done $0x0  }
0xa5: {  	s25 =	simm.s32 $0x1B8E;
	s24 =	sld [smem:$0x3FFE];
	[sflag:s23] =	ssyncadd.s32 $0xFFFFFFFF  }
0xa6: {  	s26 =	simm.s32 $execute0_lowered;
	[smem:$0x3FD2] =	sst s25  }
0xa7: {  	s6 =	sshll.u32 s26, $0x1;
	_ =	strace $0x80000046;
	[dreg:$0x1] =	wrdreg $0xFFFFFFFF  }
0xa8: {  	s28 =	simm.s32 $_size_execute0_lowered;
	s4 =	sadd.s32 s4, s6;
	[dreg:$0x0] =	wrdreg $0x0  }
0xa9: {  	s6 =	sshll.u32 s28, $0x1;
	[dreg:$0x2] =	wrdreg s4  }
0xaa: {  	[dreg:$0x3] =	wrdreg s6  }
0xab: {  	[dreg:$0x4] =	wrdreg $0xC0  }
0xac: {  	_ =	task [dreg:s8], $0x5FFFF  }
0xad: {  	[dreg:$0x1] =	wrdreg $0xFFFFFFFF  }
0xae: {  	[dreg:$0x0] =	wrdreg $0x60  }
0xaf: {  	[dreg:$0x2] =	wrdreg s2  }
0xb0: {  	[dreg:$0x3] =	wrdreg s18  }
0xb1: {  	[dreg:$0x4] =	wrdreg s24  }
0xb2: {  	[dreg:$0x5] =	wrdreg $0xA8000  }
0xb3: {  	[dreg:$0x6] =	wrdreg $0x9  }
0xb4: {  	_ =	task.clear_ibuf [dreg:s8], $0x7FFFF;
	_ =	strace $0x90000046  }
0xb5: {  	s29 =	simm.s32 $0x9;
	_ =	strace $0x80000048  }
0xb6: {  	_ =	swait.ge [sflag:s29], $0x1  }
0xb7: {  	[sflag:s29] =	ssyncadd.s32 $0xFFFFFFFF  }
0xb8: {  	_ =	strace $0x90000048  }
0xb9: {  	_ =	sfence  }
0xba: {  	s30 =	sld [smem:$0x0];
	_ =	sdelay $0x2  }
0xbb: {  	s31 =	sshll.u32 s1, $0xD;
	s1 =	sshrl.u32 s1, $0x2  }
0xbc: {  	s3 =	sand.u32 $0x4000, s31;
	s1 =	sadd.s32 s1, s30  }
0xbd: {  	s0 =	sor.u32 s3, s0;
	s1 =	sshll.u32 s1, $0x11  }
0xbe: {  	s0 =	sor.u32 s1, s0  }
0xbf: {  	s0 =	sadd.s32 $0x8F2B, s0  }
0xc0: {  	[sflag:s0] =	ssyncadd.remote.s32 $0x1  }
0xc1: {  	_ =	sfence.sel $0xFFFF  }
0xc2: {  	[dreg:$0x0] =	wrdreg $0xFFFFFFFF;
	(pc) =	sbr.abs _section_cstart, $3  }
0xc3: {  	[dreg:$0x1] =	wrdreg $0xFFFFFFFF  }
0xc4: {  	_ =	task.clear_ibuf [dreg:s8], $0x2FFFF;
	_ =	strace $0x9FFFFFFF  }
0xc5: {  	(tm) =	ssettm $0x7FFFFFFF  }
tec
execute0_lowered:
.L_overlay_start_1:
0x0: {  	(tag) =	ssettag $0x1  }
0x1: {  	s10 =	rddreg [dreg:$0x0]  }
0x2: {  	s1 =	rddreg [dreg:$0x1]  }
0x3: {  	s5 =	rddreg [dreg:$0x2]  }
0x4: {  	s3 =	rddreg [dreg:$0x3]  }
0x5: {  	s0 =	srdreg.scid;
	s2 =	rddreg [dreg:$0x4];
	s4 =	simm.s32 $0x0  }
0x6: {  	s14 =	simm.s32 $0x1;
	s15 =	simm.s32 $0x80;
	s6 =	sand.u32 $0x1, s0  }
0x7: {  	s16 =	simm.s32 $0x6800;
	s0 =	stileid.u32;
	s7 =	smul.u32 $0x13C000, s6  }
0x8: {  	s19 =	simm.s32 $0x0;
	[smem:$0x7FF] =	sst s4;
	s8 =	smul.u32 $0x13C00, s0  }
0x9: {  	_ =	strace $0x80000047;
	s29 =	smul.u32 $0x4F000, s0;
	s30 =	ssub.s32 $0x2, s6  }
0xa: {  	s6 =	sshll.u32 s6, $0x4;
	s17 =	sshll.u32 s0, $0x6;
	s31 =	sshrl.u32 s30, $0x1  }
0xb: {  	s6 =	sor.u32 s0, s6;
	s17 =	sor.u32 $0x1C01, s17;
	s7 =	sadd.s32 s8, s7  }
0xc: {  	s12 =	ssub.s32 s30, s31;
	s13 =	smul.u32 $0x500, s6;
	s7 =	sshrl.u32 s7, $0x3  }
0xd: {  	s8 =	sshrl.u32 s29, $0x2;
	s12 =	smax.u32 s12, $0x1;
	s11 =	sadd.s32 s7, s5  }
0xe: {  	s5 =	sadd.s32 s8, s3;
	s10 =	sadd.s32 s10, s13;
	s13 =	simm.s32 $0x2800  }
0xf: {  	s6 =	sadd.s32 $0x4000, s5;
	s7 =	sadd.s32 $0x8000, s5;
	s8 =	sadd.s32 $0xC000, s5  }
0x10: {  	s9 =	sadd.s32 $0x10000, s5;
	s11 =	sadd.s32 $0x400, s11;
	s18 =	sshrl.u32 s5, $0x3  }
.LBB2_1:
0x11: {  	[tilespmem:s13], [sflag:$0x1] =	stream.linear.gather [hbm4b:s1+s4], $0x8000, $0x38;
	[tilespmem:$0xCF80] =	vst v63  }
0x12: {  	_ =	swait.ge [sflag:s14], $0x8000  }
0x13: {  	[sflag:s14] =	ssyncset.done $0x0  }
0x14: {  	[sflag:s14] =	ssyncadd.s32 $0xFFFF8000  }
0x15: {  	[spmem:s5] =	stream.linear.scatter [tilespmem:s13], [sflag:$0x1], $0x4000, $0x38;
	[tilespmem:$0xCF80] =	vst v63  }
0x16: {  	_ =	swait.ge [sflag:s14], $0x4000  }
0x17: {  	[sflag:s14] =	ssyncset.done $0x0  }
0x18: {  	[sflag:s14] =	ssyncadd.s32 $0xFFFFC000  }
0x19: {  	[spmem:s6] =	stream.linear.scatter [tilespmem:s13], [sflag:$0x1], $0x4000, $0x38;
	[tilespmem:$0xCF80] =	vst v63  }
0x1a: {  	_ =	swait.ge [sflag:s14], $0x4000  }
0x1b: {  	[sflag:s14] =	ssyncset.done $0x0  }
0x1c: {  	[sflag:s14] =	ssyncadd.s32 $0xFFFFC000  }
0x1d: {  	[spmem:s7] =	stream.linear.scatter [tilespmem:s13], [sflag:$0x1], $0x4000, $0x38;
	[tilespmem:$0xCF80] =	vst v63  }
0x1e: {  	_ =	swait.ge [sflag:s14], $0x4000  }
0x1f: {  	[sflag:s14] =	ssyncset.done $0x0  }
0x20: {  	[sflag:s14] =	ssyncadd.s32 $0xFFFFC000  }
0x21: {  	[spmem:s8] =	stream.linear.scatter [tilespmem:s13], [sflag:$0x1], $0x4000, $0x38;
	[tilespmem:$0xCF80] =	vst v63  }
0x22: {  	_ =	swait.ge [sflag:s14], $0x4000  }
0x23: {  	[sflag:s14] =	ssyncset.done $0x0  }
0x24: {  	[sflag:s14] =	ssyncadd.s32 $0xFFFFC000  }
0x25: {  	[spmem:s9] =	stream.linear.scatter [tilespmem:s13], [sflag:$0x1], $0x3C00, $0x38;
	[tilespmem:$0xCF80] =	vst v63  }
0x26: {  	_ =	swait.ge [sflag:s14], $0x3C00  }
0x27: {  	[sflag:s14] =	ssyncset.done $0x0  }
0x28: {  	[sflag:s14] =	ssyncadd.s32 $0xFFFFC400  }
0x29: {  	[tilespmem:s4], [sflag:$0x1] =	stream.linear.gather [hbm4b:s10+s4], $0x2800, $0x38;
	[tilespmem:$0xCF80] =	vst v63  }
0x2a: {  	_ =	swait.ge [sflag:s14], $0x2800  }
0x2b: {  	[sflag:s14] =	ssyncset.done $0x0  }
0x2c: {  	[sflag:s14] =	ssyncadd.s32 $0xFFFFD800  }
0x2d: {  	s20 =	simm.s32 $0x0;
	[bflag:$0x0] =	sbarrier.arrive $0xFFFF  }
0x2e: {  	[spmem:s3] =	stream.indirect.scatter.add.f32 [tilespmem:s16], [sflag:$0x1], $0x10, s20, s15, $0xb8;
	[tilespmem:$0xCF80] =	vst v63  }
0x2f: {  	_ =	swait.ge [sflag:s14], $0x800  }
0x30: {  	s20 =	simm.s32 $0x200;
	[sflag:s14] =	ssyncset.done $0x0  }
.LBB2_2:
0x31: {  	s21 =	sshra.s32 s20, $0x2;
	[sflag:s14] =	ssyncadd.s32 $0xFFFFF800;
	p0 =	sne.s32 s20, $0x9E00  }
0x32: {  	[spmem:s3] =	stream.indirect.scatter.add.f32 [tilespmem:s16], [sflag:$0x1], $0x10, s21, s15, $0xb8;
	[tilespmem:$0xCF80] =	vst v63  }
.Ltmp0:
0x33: {  	_ = 	snop;
	(pc) =	sbr.rel @p0 .LBB2_2-.Ltmp0, $4  }
0x34: {  	_ = 	snop  }
0x35: {  	s20 =	sadd.s32 $0x200, s20  }
0x36: {  	_ =	swait.ge [sflag:s14], $0x800  }
0x37: {  	[sflag:s14] =	ssyncset.done $0x0  }
0x38: {  	s19 =	sadd.s32 $0x1, s19  }
0x39: {  	[sflag:s14] =	ssyncadd.s32 $0xFFFFF800;
	p0 =	sne.s32 s19, s12  }
.Ltmp1:
0x3a: {  	[bflag:$0x0] =	sbarrier.arrive $0xFFFF;
	(pc) =	sbr.rel @p0 .LBB2_1-.Ltmp1, $4  }
0x3b: {  	[hbm:s11], [sflag:s17] =	dma.local [spmem:s18], $0x2780  }
0x3c: {  	_ =	swait.ge [sflag:s14], $0x2780  }
0x3d: {  	[sflag:s14] =	ssyncset.done $0x0  }
0x3e: {  	[sflag:s14] =	ssyncadd.s32 $0xFFFFD880  }
0x3f: {  	_ =	sfence.sel $0x180000  }
0x40: {  	[bflag:$0x0] =	sbarrier.arrive $0xFFFF  }
0x41: {  	p0 =	sne.s32 s0, $0x0;
	_ =	strace $0x90000047  }
0x42: {  	s0 =	sadd.s32 @!p0 $0x100000, s2;
	[bflag:$0x2] =	sbarrier.arrive $0xFFFF  }
0x43: {  	[sflag:s0] =	ssyncadd.tile.s32 @!p0 $0x1;
	_ =	shalt  }
.Lfunc_end2:
_tile_overlayer_lowered:
.L_overlay_start_2:
0x44: {  	(tag) =	ssettag $0x2  }
0x45: {  	s0 =	rddreg [dreg:$0x0];
	s2 =	stileid.u32  }
0x46: {  	s1 =	rddreg [dreg:$0x1];
	p0 =	sne.s32 s2, $0x0  }
0x47: {  	s3 =	rddreg [dreg:$0x2];
	[bflag:$0x3] =	sbarrier.arrive $0xFFFF;
	s2 =	simm.s32 @!p0 $0x1C01  }
0x48: {  	[timem:s3], [sflag:s2] =	dma.local @!p0 [hbm:s0], s1  }
0x49: {  	s0 =	simm.s32 @!p0 $0x1  }
0x4a: {  	_ =	swait.ge @!p0 [sflag:s0], s1  }
0x4b: {  	s1 =	ssub.s32 @!p0 $0x0, s1;
	[sflag:s0] =	ssyncset.done @!p0 $0x0  }
0x4c: {  	[sflag:s0] =	ssyncadd.s32 @!p0 s1  }
0x4d: {  	[bflag:$0x3] =	sbarrier.arrive $0xFFFF  }
0x4e: {  	_ =	shalt  }

</sc_bundles>
